<compile_context>
chip_gen: v7x
topology: tpu7x:2x2x1
jax: 0.10.2.dev20260603
libtpu: 0.0.44.dev20260713+nightly
codegen_flags: <defaults>
</compile_context>

<pallas_src>
import jax
import jax.numpy as jnp
from jax.experimental import pallas as pl

B, L, K = 1024, 50, 9
D_IN, D_OUT, P = 128, 200, 150
T = 512


def _comb_block(tab_ref, w_ref, out_ref):
    out_ref[...] = jax.lax.dot_general(
        tab_ref[...], w_ref[...], (((1,), (0,)), ((), ())),
        preferred_element_type=jnp.float32)


def _attn_block(x_ref, idx_ref, comb_ref, tab_ref, out_ref):
    x = x_ref[...]
    idx = idx_ref[...]
    comb = comb_ref[...]
    tab = tab_ref[...]

    s = jax.lax.dot_general(x, comb, (((1,), (1,)), ((), ())),
                            preferred_element_type=jnp.float32)

    iota = jax.lax.broadcasted_iota(jnp.int32, (T, P), 1)
    cnt = jnp.zeros((T, P), jnp.float32)
    for k in range(K):
        cnt += (idx[:, k:k + 1] == iota).astype(jnp.float32)

    m = jnp.max(s, axis=1, keepdims=True)
    e = cnt * jnp.exp(s - m)
    probs = e / jnp.sum(e, axis=1, keepdims=True)

    out_ref[...] = jax.lax.dot_general(
        probs, tab, (((1,), (0,)), ((), ())),
        preferred_element_type=jnp.float32)


@jax.jit
def kernel(input_context, cand_idx, pos_table, W):
    n = B * L
    x = input_context.reshape(n, D_IN)
    idx = cand_idx.reshape(n, K).astype(jnp.int32)

    comb = pl.pallas_call(
        _comb_block,
        out_shape=jax.ShapeDtypeStruct((P, D_IN), jnp.float32),
    )(pos_table, W)

    out = pl.pallas_call(
        _attn_block,
        grid=(n // T,),
        in_specs=[
            pl.BlockSpec((T, D_IN), lambda i: (i, 0)),
            pl.BlockSpec((T, K), lambda i: (i, 0)),
            pl.BlockSpec((P, D_IN), lambda i: (0, 0)),
            pl.BlockSpec((P, D_OUT), lambda i: (0, 0)),
        ],
        out_specs=pl.BlockSpec((T, D_OUT), lambda i: (i, 0)),
        out_shape=jax.ShapeDtypeStruct((n, D_OUT), jnp.float32),
    )(x, idx, comb, pos_table)
    return out.reshape(B, L, D_OUT)

# --- scband reference (transcript-rebuilt; emitter-appended) ---
"""Pipeline reference for scband-attention-52682068852746 (READ-ONLY COPY).

The authoritative reference and input builder live on the scoring server;
editing this copy changes nothing except your own understanding.
"""

import jax, jax.numpy as jnp
import numpy as np

B, L, K = 1024, 50, 9
D_IN, D_OUT, P = 128, 200, 150


def setup_inputs(seed: int = 0) -> dict:
    key = jax.random.key(seed)
    k1, k2, k3, k4 = jax.random.split(key, 4)
    input_context = jax.random.normal(k1, (B, L, D_IN), dtype=jnp.float32)
    cand_idx = jax.random.randint(k2, (B, L, K), 0, P, dtype=jnp.int64)
    pos_table = jax.random.normal(k3, (P, D_OUT), dtype=jnp.float32) * 0.02
    W = jax.random.normal(k4, (D_OUT, D_IN), dtype=jnp.float32) * 0.02
    return {"input_context": input_context, "cand_idx": cand_idx, "pos_table": pos_table, "W": W}


def reference(input_context, cand_idx, pos_table, W):
    # Tensorized equivalent of the per-char candidate-word attention
    # ('general' attention type):
    #   1) embedding lookup of candidate pos-BEM vectors for each char
    #   2) linear_W(char_embedding)
    #   3) dot-product scores vs. candidates, softmax over candidates
    #   4) weighted sum of candidate vectors -> local context per char
    cand_vecs = jnp.take(pos_table, cand_idx, axis=0)          # [B, L, K, D_OUT] gather
    linear_out = jnp.einsum('bli,oi->blo', input_context, W)    # [B, L, D_OUT]
    scores = jnp.einsum('blkd,bld->blk', cand_vecs, linear_out) # [B, L, K]
    probs = jax.nn.softmax(scores, axis=-1)
    local_context = jnp.einsum('blk,blkd->bld', probs, cand_vecs)  # [B, L, D_OUT]
    return local_context

if __name__ == "__main__":
    import jax
    _d = setup_inputs()
    print(jax.jit(kernel)(*tuple(_d.values())))

</pallas_src>

<mosaic_0001>
module attributes {stable_mosaic.version = 14 : i64} {
  func.func @_comb_block(%arg0: memref<150x200xf32, #tpu.memory_space<vmem>>, %arg1: memref<200x128xf32, #tpu.memory_space<vmem>>, %arg2: memref<150x128xf32, #tpu.memory_space<vmem>>) attributes {dimension_semantics = [], scalar_prefetch = 0 : i64, scratch_operands = 0 : i64, tpu.core_type = #tpu.core_type<tc>} {
    %get3A = arith.constant 0 : index
    %get3A_0 = arith.constant 0 : index
    %get3A_1 = vector.load %arg0[%get3A, %get3A_0] : memref<150x200xf32, #tpu.memory_space<vmem>>, vector<150x200xf32>
    %get3A_2 = arith.constant 0 : index
    %get3A_3 = arith.constant 0 : index
    %get3A_4 = vector.load %arg1[%get3A_2, %get3A_3] : memref<200x128xf32, #tpu.memory_space<vmem>>, vector<200x128xf32>
    %dot_general3A = arith.constant dense<0.000000e+00> : vector<150x128xf32>
    %dot_general3A_5 = tpu.matmul %get3A_1, %get3A_4, %dot_general3A {dimension_numbers = #tpu.dot_dimension_numbers<[1], [0], [0], [1], [0, 0, 1, 1], [], []>, transpose_lhs_hint = false} : vector<150x200xf32>, vector<200x128xf32>, vector<150x128xf32> -> vector<150x128xf32>
    %swap3A = arith.constant 0 : index
    %swap3A_6 = arith.constant 0 : index
    %swap3A_7 = vector.load %arg2[%swap3A, %swap3A_6] : memref<150x128xf32, #tpu.memory_space<vmem>>, vector<150x128xf32>
    tpu.vector_store %arg2[%swap3A, %swap3A_6], %dot_general3A_5 {strides = array<i32>} : memref<150x128xf32, #tpu.memory_space<vmem>>, vector<150x128xf32>,
    return
  }
}

module attributes {stable_mosaic.version = 14 : i64} {
  func.func @_attn_block(%arg0: i32, %arg1: memref<512x128xf32, #tpu.memory_space<vmem>>, %arg2: memref<512x9xi32, #tpu.memory_space<vmem>>, %arg3: memref<150x128xf32, #tpu.memory_space<vmem>>, %arg4: memref<150x200xf32, #tpu.memory_space<vmem>>, %arg5: memref<512x200xf32, #tpu.memory_space<vmem>>) attributes {dimension_semantics = [#tpu.dimension_semantics<arbitrary>], iteration_bounds = array<i64: 100>, scalar_prefetch = 0 : i64, scratch_operands = 0 : i64, tpu.core_type = #tpu.core_type<tc>, window_params = [{transform_indices = @transform_0, window_bounds = array<i64: 512, 128>}, {transform_indices = @transform_1, window_bounds = array<i64: 512, 9>}, {pipeline_mode = #tpu.pipeline_mode<synchronous>, transform_indices = @transform_2, window_bounds = array<i64: 150, 128>}, {pipeline_mode = #tpu.pipeline_mode<synchronous>, transform_indices = @transform_3, window_bounds = array<i64: 150, 200>}, {transform_indices = @transform_4, window_bounds = array<i64: 512, 200>}]} {
    %get3A = arith.constant 0 : index
    %get3A_0 = arith.constant 0 : index
    %get3A_1 = vector.load %arg1[%get3A, %get3A_0] : memref<512x128xf32, #tpu.memory_space<vmem>>, vector<512x128xf32>
    %get3A_2 = arith.constant 0 : index
    %get3A_3 = arith.constant 0 : index
    %get3A_4 = vector.load %arg2[%get3A_2, %get3A_3] : memref<512x9xi32, #tpu.memory_space<vmem>>, vector<512x9xi32>
    %get3A_5 = arith.constant 0 : index
    %get3A_6 = arith.constant 0 : index
    %get3A_7 = vector.load %arg3[%get3A_5, %get3A_6] : memref<150x128xf32, #tpu.memory_space<vmem>>, vector<150x128xf32>
    %get3A_8 = arith.constant 0 : index
    %get3A_9 = arith.constant 0 : index
    %get3A_10 = vector.load %arg4[%get3A_8, %get3A_9] : memref<150x200xf32, #tpu.memory_space<vmem>>, vector<150x200xf32>
    %dot_general3A = arith.constant dense<0.000000e+00> : vector<512x150xf32>
    %dot_general3A_11 = tpu.matmul %get3A_1, %get3A_7, %dot_general3A {dimension_numbers = #tpu.dot_dimension_numbers<[1], [1], [0], [0], [0, 0, 1, 0], [], []>, transpose_lhs_hint = false} : vector<512x128xf32>, vector<150x128xf32>, vector<512x150xf32> -> vector<512x150xf32>
    %iota3A = tpu.iota {dimensions = array<i32: 1>} : vector<512x150xi32>
    %broadcast_in_dim3A = arith.constant 0.000000e+00 : f32
    %broadcast_in_dim3A_12 = vector.broadcast %broadcast_in_dim3A : f32 to vector<512x150xf32>
    %slice3A = vector.extract_strided_slice %get3A_4 {offsets = [0, 0], sizes = [512, 1], strides = [1, 1]} : vector<512x9xi32> to vector<512x1xi32>
    %eq3A = vector.broadcast %slice3A : vector<512x1xi32> to vector<512x150xi32>
    %eq3A_13 = arith.cmpi eq, %eq3A, %iota3A : vector<512x150xi32>
    %convert_element_type3A = arith.extui %eq3A_13 : vector<512x150xi1> to vector<512x150xi32>
    %convert_element_type3A_14 = arith.sitofp %convert_element_type3A : vector<512x150xi32> to vector<512x150xf32>
    %add3A = arith.addf %broadcast_in_dim3A_12, %convert_element_type3A_14 : vector<512x150xf32>
    %slice3A_15 = vector.extract_strided_slice %get3A_4 {offsets = [0, 1], sizes = [512, 1], strides = [1, 1]} : vector<512x9xi32> to vector<512x1xi32>
    %eq3A_16 = vector.broadcast %slice3A_15 : vector<512x1xi32> to vector<512x150xi32>
    %eq3A_17 = arith.cmpi eq, %eq3A_16, %iota3A : vector<512x150xi32>
    %convert_element_type3A_18 = arith.extui %eq3A_17 : vector<512x150xi1> to vector<512x150xi32>
    %convert_element_type3A_19 = arith.sitofp %convert_element_type3A_18 : vector<512x150xi32> to vector<512x150xf32>
    %add3A_20 = arith.addf %add3A, %convert_element_type3A_19 : vector<512x150xf32>
    %slice3A_21 = vector.extract_strided_slice %get3A_4 {offsets = [0, 2], sizes = [512, 1], strides = [1, 1]} : vector<512x9xi32> to vector<512x1xi32>
    %eq3A_22 = vector.broadcast %slice3A_21 : vector<512x1xi32> to vector<512x150xi32>
    %eq3A_23 = arith.cmpi eq, %eq3A_22, %iota3A : vector<512x150xi32>
    %convert_element_type3A_24 = arith.extui %eq3A_23 : vector<512x150xi1> to vector<512x150xi32>
    %convert_element_type3A_25 = arith.sitofp %convert_element_type3A_24 : vector<512x150xi32> to vector<512x150xf32>
    %add3A_26 = arith.addf %add3A_20, %convert_element_type3A_25 : vector<512x150xf32>
    %slice3A_27 = vector.extract_strided_slice %get3A_4 {offsets = [0, 3], sizes = [512, 1], strides = [1, 1]} : vector<512x9xi32> to vector<512x1xi32>
    %eq3A_28 = vector.broadcast %slice3A_27 : vector<512x1xi32> to vector<512x150xi32>
    %eq3A_29 = arith.cmpi eq, %eq3A_28, %iota3A : vector<512x150xi32>
    %convert_element_type3A_30 = arith.extui %eq3A_29 : vector<512x150xi1> to vector<512x150xi32>
    %convert_element_type3A_31 = arith.sitofp %convert_element_type3A_30 : vector<512x150xi32> to vector<512x150xf32>
    %add3A_32 = arith.addf %add3A_26, %convert_element_type3A_31 : vector<512x150xf32>
    %slice3A_33 = vector.extract_strided_slice %get3A_4 {offsets = [0, 4], sizes = [512, 1], strides = [1, 1]} : vector<512x9xi32> to vector<512x1xi32>
    %eq3A_34 = vector.broadcast %slice3A_33 : vector<512x1xi32> to vector<512x150xi32>
    %eq3A_35 = arith.cmpi eq, %eq3A_34, %iota3A : vector<512x150xi32>
    %convert_element_type3A_36 = arith.extui %eq3A_35 : vector<512x150xi1> to vector<512x150xi32>
    %convert_element_type3A_37 = arith.sitofp %convert_element_type3A_36 : vector<512x150xi32> to vector<512x150xf32>
    %add3A_38 = arith.addf %add3A_32, %convert_element_type3A_37 : vector<512x150xf32>
    %slice3A_39 = vector.extract_strided_slice %get3A_4 {offsets = [0, 5], sizes = [512, 1], strides = [1, 1]} : vector<512x9xi32> to vector<512x1xi32>
    %eq3A_40 = vector.broadcast %slice3A_39 : vector<512x1xi32> to vector<512x150xi32>
    %eq3A_41 = arith.cmpi eq, %eq3A_40, %iota3A : vector<512x150xi32>
    %convert_element_type3A_42 = arith.extui %eq3A_41 : vector<512x150xi1> to vector<512x150xi32>
    %convert_element_type3A_43 = arith.sitofp %convert_element_type3A_42 : vector<512x150xi32> to vector<512x150xf32>
    %add3A_44 = arith.addf %add3A_38, %convert_element_type3A_43 : vector<512x150xf32>
    %slice3A_45 = vector.extract_strided_slice %get3A_4 {offsets = [0, 6], sizes = [512, 1], strides = [1, 1]} : vector<512x9xi32> to vector<512x1xi32>
    %eq3A_46 = vector.broadcast %slice3A_45 : vector<512x1xi32> to vector<512x150xi32>
    %eq3A_47 = arith.cmpi eq, %eq3A_46, %iota3A : vector<512x150xi32>
    %convert_element_type3A_48 = arith.extui %eq3A_47 : vector<512x150xi1> to vector<512x150xi32>
    %convert_element_type3A_49 = arith.sitofp %convert_element_type3A_48 : vector<512x150xi32> to vector<512x150xf32>
    %add3A_50 = arith.addf %add3A_44, %convert_element_type3A_49 : vector<512x150xf32>
    %slice3A_51 = vector.extract_strided_slice %get3A_4 {offsets = [0, 7], sizes = [512, 1], strides = [1, 1]} : vector<512x9xi32> to vector<512x1xi32>
    %eq3A_52 = vector.broadcast %slice3A_51 : vector<512x1xi32> to vector<512x150xi32>
    %eq3A_53 = arith.cmpi eq, %eq3A_52, %iota3A : vector<512x150xi32>
    %convert_element_type3A_54 = arith.extui %eq3A_53 : vector<512x150xi1> to vector<512x150xi32>
    %convert_element_type3A_55 = arith.sitofp %convert_element_type3A_54 : vector<512x150xi32> to vector<512x150xf32>
    %add3A_56 = arith.addf %add3A_50, %convert_element_type3A_55 : vector<512x150xf32>
    %slice3A_57 = vector.extract_strided_slice %get3A_4 {offsets = [0, 8], sizes = [512, 1], strides = [1, 1]} : vector<512x9xi32> to vector<512x1xi32>
    %eq3A_58 = vector.broadcast %slice3A_57 : vector<512x1xi32> to vector<512x150xi32>
    %eq3A_59 = arith.cmpi eq, %eq3A_58, %iota3A : vector<512x150xi32>
    %convert_element_type3A_60 = arith.extui %eq3A_59 : vector<512x150xi1> to vector<512x150xi32>
    %convert_element_type3A_61 = arith.sitofp %convert_element_type3A_60 : vector<512x150xi32> to vector<512x150xf32>
    %add3A_62 = arith.addf %add3A_56, %convert_element_type3A_61 : vector<512x150xf32>
    %reduce_max3A = arith.constant dense<0xFF800000> : vector<512xf32>
    %reduce_max3A_63 = vector.multi_reduction <maximumf>, %dot_general3A_11, %reduce_max3A [1] : vector<512x150xf32> to vector<512xf32>
    %broadcast_in_dim3A_64 = vector.shape_cast %reduce_max3A_63 : vector<512xf32> to vector<512x1xf32>
    %sub3A = vector.broadcast %broadcast_in_dim3A_64 : vector<512x1xf32> to vector<512x150xf32>
    %sub3A_65 = arith.subf %dot_general3A_11, %sub3A : vector<512x150xf32>
    %exp3A = math.exp %sub3A_65 : vector<512x150xf32>
    %mul3A = arith.mulf %add3A_62, %exp3A : vector<512x150xf32>
    %reduce_sum3A = arith.constant dense<0.000000e+00> : vector<512xf32>
    %reduce_sum3A_66 = vector.multi_reduction <add>, %mul3A, %reduce_sum3A [1] : vector<512x150xf32> to vector<512xf32>
    %broadcast_in_dim3A_67 = vector.shape_cast %reduce_sum3A_66 : vector<512xf32> to vector<512x1xf32>
    %div3A = vector.broadcast %broadcast_in_dim3A_67 : vector<512x1xf32> to vector<512x150xf32>
    %div3A_68 = arith.divf %mul3A, %div3A : vector<512x150xf32>
    %dot_general3A_69 = arith.constant dense<0.000000e+00> : vector<512x200xf32>
    %dot_general3A_70 = tpu.matmul %div3A_68, %get3A_10, %dot_general3A_69 {dimension_numbers = #tpu.dot_dimension_numbers<[1], [0], [0], [1], [0, 0, 1, 1], [], []>, transpose_lhs_hint = false} : vector<512x150xf32>, vector<150x200xf32>, vector<512x200xf32> -> vector<512x200xf32>
    %swap3A = arith.constant 0 : index
    %swap3A_71 = arith.constant 0 : index
    %swap3A_72 = vector.load %arg5[%swap3A, %swap3A_71] : memref<512x200xf32, #tpu.memory_space<vmem>>, vector<512x200xf32>
    tpu.vector_store %arg5[%swap3A, %swap3A_71], %dot_general3A_70 {strides = array<i32>} : memref<512x200xf32, #tpu.memory_space<vmem>>, vector<512x200xf32>,
    return
  }
  func.func @transform_0(%arg0: i32) -> (i32, i32) {
    %c0_i32 = arith.constant 0 : i32
    %c0_i32_0 = arith.constant 0 : i32
    return %arg0, %c0_i32 : i32, i32
  }
  func.func @transform_1(%arg0: i32) -> (i32, i32) {
    %c0_i32 = arith.constant 0 : i32
    %c0_i32_0 = arith.constant 0 : i32
    return %arg0, %c0_i32 : i32, i32
  }
  func.func @transform_2(%arg0: i32) -> (i32, i32) {
    %c0_i32 = arith.constant 0 : i32
    %c0_i32_0 = arith.constant 0 : i32
    %c0_i32_1 = arith.constant 0 : i32
    return %c0_i32, %c0_i32_0 : i32, i32
  }
  func.func @transform_3(%arg0: i32) -> (i32, i32) {
    %c0_i32 = arith.constant 0 : i32
    %c0_i32_0 = arith.constant 0 : i32
    %c0_i32_1 = arith.constant 0 : i32
    return %c0_i32, %c0_i32_0 : i32, i32
  }
  func.func @transform_4(%arg0: i32) -> (i32, i32) {
    %c0_i32 = arith.constant 0 : i32
    %c0_i32_0 = arith.constant 0 : i32
    return %arg0, %c0_i32 : i32, i32
  }
}

</mosaic_0001>

<sc_bundles>
// kernel: sparse-core-data-format-call.cloned.1.call-start
scs
called_computation_lowered:
.L_overlay_start_0:
0x0: {  	s2 =	sld [smem:$0x3FD9]  }
0x1: {  	s3 =	sld [smem:$0x3FFE];
	_ =	sdelay $0x1  }
0x2: {  	s1 =	srdreg.scid  }
0x3: {  	s0 =	sand.u32 $0x1, s1  }
0x4: {  	s18 =	sshll.u32 s0, $0xA;
	s2 =	sadd.s32 s3, s2  }
0x5: {  	s2 =	sadd.s32 s2, s18  }
0x6: {  	[smem:$0x3FC4] =	sst s2  }
0x7: {  	_ = 	snop  }
0x8: {  	s2 =	sld [smem:$0x3FD0];
	(tm) =	ssettm $0x1  }
0x9: {  	s19 =	sld [smem:$0x3FFB];
	_ =	sdelay $0x3  }
0xa: {  	_ =	strace s19  }
0xb: {  	s3 =	sld [smem:$0x3FFC];
	_ =	sdelay $0x3  }
0xc: {  	_ =	strace s3  }
0xd: {  	s3 =	sld [smem:$0x3FFD];
	_ =	sdelay $0x3  }
0xe: {  	_ =	strace s3  }
0xf: {  	_ =	strace $0x8FFFFFFF  }
0x10: {  	s20 =	sld [smem:$0x3FDB];
	_ =	sdelay $0x1  }
0x11: {  	s4 =	simm.s32 $_scs_section_size  }
0x12: {  	s5 =	simm.s32 $_size__tile_overlayer_lowered;
	s6 =	simm.s32 $_tile_overlayer_lowered  }
0x13: {  	s23 =	simm.s32 $0x1BFF;
	s22 =	sshll.u32 s6, $0x1;
	s3 =	sadd.s32 s4, s20  }
0x14: {  	s7 =	simm.s32 $0x0;
	s21 =	sshll.u32 s5, $0x1;
	s5 =	sadd.s32 s22, s3  }
0x15: {  	[timem:s7], [sflag:s23] =	dma.local [hbm:s5], s21  }
0x16: {  	_ =	swait.ge [sflag:s23], s21  }
0x17: {  	s4 =	ssub.s32 $0x0, s21;
	[sflag:s23] =	ssyncset.done $0x0  }
0x18: {  	[sflag:s23] =	ssyncadd.s32 s4;
	_ =	sdelay $0x1  }
0x19: {  	s24 =	simm.s32 $0x1B8B  }
0x1a: {  	_ =	swait.ge [sflag:s24], $0x1  }
0x1b: {  	[sflag:s24] =	ssyncset.done $0x0  }
0x1c: {  	s26 =	simm.s32 $0x1B8E;
	s25 =	sld [smem:$0x3FFE];
	[sflag:s24] =	ssyncadd.s32 $0xFFFFFFFF  }
0x1d: {  	s27 =	simm.s32 $execute0_lowered;
	[smem:$0x3FD2] =	sst s26  }
0x1e: {  	s5 =	sshll.u32 s27, $0x1;
	_ =	strace $0x80000046;
	[dreg:$0x1] =	wrdreg $0xFFFFFFFF  }
0x1f: {  	s28 =	simm.s32 $_size_execute0_lowered;
	s3 =	sadd.s32 s3, s5;
	[dreg:$0x0] =	wrdreg $0x0  }
0x20: {  	s5 =	sshll.u32 s28, $0x1;
	[dreg:$0x2] =	wrdreg s3  }
0x21: {  	[dreg:$0x3] =	wrdreg s5  }
0x22: {  	[dreg:$0x4] =	wrdreg $0xC0  }
0x23: {  	_ =	task [dreg:s7], $0x5FFFF  }
0x24: {  	[dreg:$0x1] =	wrdreg $0xFFFFFFFF  }
0x25: {  	[dreg:$0x0] =	wrdreg $0x60  }
0x26: {  	[dreg:$0x2] =	wrdreg s25  }
0x27: {  	[dreg:$0x3] =	wrdreg s2  }
0x28: {  	[dreg:$0x4] =	wrdreg $0x9  }
0x29: {  	_ =	task.clear_ibuf [dreg:s7], $0x5FFFF;
	_ =	strace $0x90000046  }
0x2a: {  	s29 =	simm.s32 $0x9;
	_ =	strace $0x80000048  }
0x2b: {  	_ =	swait.ge [sflag:s29], $0x1  }
0x2c: {  	[sflag:s29] =	ssyncadd.s32 $0xFFFFFFFF  }
0x2d: {  	_ =	strace $0x90000048  }
0x2e: {  	_ =	sfence  }
0x2f: {  	s30 =	sld [smem:$0x0];
	_ =	sdelay $0x2  }
0x30: {  	s31 =	sshll.u32 s1, $0xD;
	s1 =	sshrl.u32 s1, $0x2  }
0x31: {  	s3 =	sand.u32 $0x4000, s31;
	s1 =	sadd.s32 s1, s30  }
0x32: {  	s0 =	sor.u32 s3, s0;
	s1 =	sshll.u32 s1, $0x11  }
0x33: {  	s0 =	sor.u32 s1, s0  }
0x34: {  	s0 =	sadd.s32 $0x8F2B, s0  }
0x35: {  	[sflag:s0] =	ssyncadd.remote.s32 $0x1  }
0x36: {  	_ =	sfence.sel $0xFFFF  }
0x37: {  	[dreg:$0x0] =	wrdreg $0xFFFFFFFF;
	(pc) =	sbr.abs _section_cstart, $3  }
0x38: {  	[dreg:$0x1] =	wrdreg $0xFFFFFFFF  }
0x39: {  	_ =	task.clear_ibuf [dreg:s7], $0x2FFFF;
	_ =	strace $0x9FFFFFFF  }
0x3a: {  	(tm) =	ssettm $0x7FFFFFFF  }
0x3b: {  	_ =	shalt  }
tec
execute0_lowered:
.L_overlay_start_1:
0x0: {  	(tag) =	ssettag $0x1  }
0x1: {  	s4 =	rddreg [dreg:$0x0]  }
0x2: {  	s2 =	rddreg [dreg:$0x1];
	s1 =	stileid.u32  }
0x3: {  	s0 =	rddreg [dreg:$0x2];
	_ =	strace $0x80000047;
	s10 =	srdreg.scid  }
0x4: {  	s31 =	simm.s32 $0x2;
	s18 =	simm.s32 $0x0;
	s11 =	simm.s32 $0x2000  }
0x5: {  	s19 =	simm.s32 $0x0;
	s20 =	simm.s32 $0x0;
	s12 =	simm.s32 $0x0  }
0x6: {  	s13 =	simm.s32 $0x0;
	s14 =	simm.s32 $0x0;
	s3 =	sshll.u32 s1, $0x7  }
0x7: {  	s17 =	simm.s32 $0x0;
	s4 =	sadd.s32 $0x258800, s4;
	s3 =	sand.u32 $0x380, s3  }
0x8: {  	s5 =	sshrl.u32 s1, $0x3;
	s30 =	sshll.u32 s10, $0x7;
	s6 =	ssub.s32 $0x400, s3  }
0x9: {  	s8 =	ssub.s32 $0x32, s5;
	s7 =	sshrl.u32 s6, $0xA;
	s6 =	sand.u32 $0x380, s6  }
0xa: {  	s9 =	sshrl.u32 s8, $0x1;
	p0 =	sne.s32 s6, $0x0;
	s6 =	simm.s32 $0x1  }
.Ltmp0:
0xb: {  	s8 =	sand.u32 $0x1, s8;
	s6 =	simm.s32 @!p0 $0x0;
	(pc) =	sbr.rel .LBB1_1-.Ltmp0, $4  }
0xc: {  	s15 =	smov.u32 s5;
	s8 =	sadd.s32 s8, s9;
	s7 =	sadd.s32 s6, s7  }
0xd: {  	s16 =	smov.u32 s3;
	s6 =	simm.s32 $0x1;
	s7 =	smul.u32 s8, s7  }
0xe: {  	p0 =	por $0x0, $0x0;
	s8 =	sand.u32 $0x80, s30;
	[sflag:s6] =	ssyncpa.u1 $0x0  }
0xf: {  	[sflag:s31] =	ssyncpa.u1 $0x0;
	s9 =	sshll.u32 s8, $0x3;
	s10 =	sadd.s32 $0x1, s7  }
.LBB1_4:
0x10: {  	s25 =	sshra.s32 s25, $0x2;
	s26 =	sshrl.u32 s14, $0x7;
	p1 =	sgt.s32 s14, $0x380  }
0x11: {  	s27 =	sshra.s32 s14, $0x1F;
	s29 =	smov.u32 s13;
	s31 =	sshra.s32 s13, $0x1F  }
0x12: {  	s24 =	sadd.s32 s25, s24;
	s30 =	sadd.s32 s26, s12;
	s26 =	smov.u32 s14  }
0x13: {  	v5 =	vld [tilespmem:s22+$0xFFFFFFD0];
	[tilespmem:s23+$0x2040 ss:$0x81] =	vst.msk $0xffff, v4;
	s27 =	sand.u32 s27, s14;
	s25 =	sand.u32 $0x3FFFFF, s30;
	s26 =	simm.s32 @!p1 $0x380  }
0x14: {  	v58 =	vld [tilespmem:s22+$0xFFFFFFE0];
	[tilespmem:s23+$0x2850 ss:$0x81] =	vst.msk $0xffff, v3;
	p1 =	sgt.s32 s13, $0x31;
	s28 =	smulhi.u32 $0x147AE15, s25;
	s26 =	ssub.s32 s26, s27  }
0x15: {  	v59 =	vld [tilespmem:s22+$0xFFFFFFF0];
	[tilespmem:s23+$0x3060 ss:$0x81] =	vst.msk $0xffff, v2;
	s29 =	simm.s32 @!p1 $0x31;
	s27 =	sand.u32 s31, s13;
	p1 =	sgt.s32 s12, $0x48  }
0x16: {  	v60 =	vld [tilespmem:s22+$0x0];
	[tilespmem:s23+$0x0 ss:$0x81] =	vst.msk $0xffff, v1;
	s23 =	ssub.s32 s29, s27;
	s27 =	smov.u32 s12;
	s30 =	sadd.s32 $0xFFFFFC80, s26  }
0x17: {  	v61 =	vld [tilespmem:s22+$0x10];
	[tilespmem:s24+$0x3870 ss:$0x81] =	vst.msk $0xffff, v0;
	s26 =	ssub.s32 $0x400, s26;
	s27 =	simm.s32 @!p1 $0x48;
	p1 =	sgt.s32 s30, $0x7F  }
0x18: {  	v62 =	vld [tilespmem:s22+$0x20];
	s28 =	smul.u32 $0xC8, s28;
	[tilespmem:s24+$0x810 ss:$0x81] =	vst.msk $0xffff, v5;
	s27 =	ssub.s32 $0xC8, s27;
	s26 =	simm.s32 @p1 $0x0  }
0x19: {  	v63 =	vld [tilespmem:s22+$0xFFFFFFC0];
	s29 =	sand.u32 $0x7, s14;
	s31 =	sadd.s32 $0xFFFFFFCF, s23;
	[tilespmem:s24+$0x1020 ss:$0x81] =	vst.msk $0xffff, v58;
	s26 =	smul.u32 s27, s26  }
0x1a: {  	s22 =	ssub.s32 $0x32, s23;
	[tilespmem:s24+$0x1830 ss:$0x81] =	vst.msk $0xffff, v59;
	p1 =	sgt.s32 s31, $0x0;
	s27 =	smul.u32 $0x6400, s13  }
0x1b: {  	[tilespmem:s24+$0x2040 ss:$0x81] =	vst.msk $0xffff, v60;
	s22 =	simm.s32 @p1 $0x0;
	s25 =	ssub.s32 s25, s28;
	s28 =	sshrl.u32 s14, $0x3  }
0x1c: {  	[tilespmem:s24+$0x2850 ss:$0x81] =	vst.msk $0xffff, v61;
	s23 =	sand.u32 $0xF, s28;
	s22 =	smul.u32 s22, s26;
	s26 =	sadd.s32 s2, s27  }
0x1d: {  	[tilespmem:s24+$0x3060 ss:$0x81] =	vst.msk $0xffff, v62;
	s30 =	sshll.u32 s29, $0x12;
	s25 =	sshll.u32 s25, $0x7;
	s23 =	sadd.s32 s23, s26  }
0x1e: {  	[tilespmem:s24+$0x0 ss:$0x81] =	vst.msk $0xffff, v63;
	s31 =	sor.u32 $0x400, s30;
	s22 =	sand.u32 $0x3FFFFFFF, s22;
	s23 =	sadd.s32 s25, s23  }
0x1f: {  	[hbm4b:s23+s31] =	stream.strided.scatter [tilespmem:s21], [sflag:$0x2], s22, s11, s31, $0x20;
	[tilespmem:$0x10100] =	vst v63  }
.LBB1_5:
0x20: {  	p1 =	slt.u32 s17, $0x2;
	s21 =	smov.u32 s19  }
0x21: {  	s22 =	smov.u32 s20;
	p2 =	sgt.s32 @!p1 s19, $0x31;
	p3 =	sgt.s32 @!p1 s20, $0x380  }
0x22: {  	s23 =	sshra.s32 @!p1 s20, $0x1F;
	p2 =	por !p2, p1;
	p3 =	por !p3, p1  }
0x23: {  	s20 =	sand.u32 @!p1 s23, s20;
	s21 =	simm.s32 @p2 $0x31;
	s22 =	simm.s32 @p3 $0x380  }
0x24: {  	p2 =	sgt.s32 @!p1 s18, $0x48;
	s20 =	ssub.s32 @!p1 s22, s20;
	s22 =	sshra.s32 @!p1 s19, $0x1F  }
0x25: {  	p2 =	por !p2, p1;
	s19 =	sand.u32 @!p1 s22, s19;
	s22 =	sadd.s32 @!p1 $0xFFFFFC80, s20  }
0x26: {  	s18 =	simm.s32 @p2 $0x48;
	s19 =	ssub.s32 @!p1 s21, s19;
	p2 =	sgt.s32 @!p1 s22, $0x7F  }
0x27: {  	s20 =	ssub.s32 @!p1 $0x400, s20;
	s21 =	sadd.s32 @!p1 $0xFFFFFFCF, s19;
	p2 =	por !p2, p1  }
0x28: {  	s18 =	ssub.s32 @!p1 $0xC8, s18;
	s20 =	simm.s32 @!p2 $0x0;
	p2 =	sgt.s32 @!p1 s21, $0x0  }
0x29: {  	s19 =	ssub.s32 @!p1 $0x32, s19;
	p2 =	por !p2, p1;
	s18 =	smul.u32 @!p1 s18, s20  }
0x2a: {  	s23 =	smov.u32 s16;
	s21 =	sadd.s32 $0x2, s15;
	s19 =	simm.s32 @!p2 $0x0  }
0x2b: {  	p2 =	sgt.s32 s21, $0x31;
	s18 =	smul.u32 @!p1 s19, s18;
	s19 =	sadd.s32 $0x400, s16  }
0x2c: {  	s25 =	sadd.s32 $0x1, s17;
	s23 =	smov.u32 @p2 s19  }
0x2d: {  	p0 =	por !p0, !p0;
	s21 =	smov.u32 @p2 s5;
	p2 =	sgt.s32 s23, $0x3FF  }
0x2e: {  	s22 =	simm.s32 @!p1 $0x2;
	s23 =	smov.u32 @p2 s3;
	p2 =	sne.s32 s17, s10  }
.Ltmp1:
0x2f: {  	s20 =	smov.u32 s14;
	s14 =	smov.u32 s16;
	(pc) =	sbr.rel @!p2 .LBB1_6-.Ltmp1, $4  }
0x30: {  	s19 =	smov.u32 s13;
	s13 =	smov.u32 s15;
	s18 =	sand.u32 @!p1 $0x3FFFFFFF, s18  }
0x31: {  	s15 =	smov.u32 s21;
	_ =	swait.ge @!p1 [sflag:s22], s18;
	s24 =	ssub.s32 @!p1 $0x0, s18  }
0x32: {  	s18 =	smov.u32 s12;
	s12 =	smov.u32 s8;
	[sflag:s22] =	ssyncset.done @!p1 $0x0  }
0x33: {  	s17 =	smov.u32 s25;
	s16 =	smov.u32 s23;
	[sflag:s22] =	ssyncadd.s32 @!p1 s24  }
.LBB1_1:
0x34: {  	p1 =	sge.u32 s17, s7  }
0x35: {  	s21 =	sshll.u32 @!p1 s15, $0x8  }
0x36: {  	s22 =	sshll.u32 @!p1 s15, $0x7;
	s21 =	sand.u32 @!p1 $0xFFFFF800, s21  }
0x37: {  	s22 =	sand.u32 @!p1 $0x300, s22;
	s21 =	sor.u32 @!p1 s9, s21  }
0x38: {  	s21 =	sor.u32 @!p1 s22, s21  }
0x39: {  	s21 =	sshrl.u32 @!p1 s21, $0x8  }
0x3a: {  	s22 =	smulhi.u32 @!p1 $0x4924925, s21;
	_ =	sdelay $0x1  }
0x3b: {  	s22 =	smul.u32 @!p1 $0x38, s22  }
0x3c: {  	s31 =	sadd.s32 $0xFFFFFFFF, s17;
	s23 =	smul.u32 @!p1 $0x700, s16  }
0x3d: {  	s24 =	sxor.u32 @!p1 $0xFFFFFFFF, s17;
	s21 =	ssub.s32 @!p1 s21, s22;
	s22 =	sshll.u32 @!p1 s15, $0x4  }
0x3e: {  	s24 =	sshll.u32 @!p1 s24, $0xE;
	s23 =	sadd.s32 @!p1 s4, s23;
	s22 =	sand.u32 @!p1 $0x10, s22  }
0x3f: {  	s24 =	sand.u32 @!p1 $0x4000, s24;
	s21 =	sshll.u32 @!p1 s21, $0x5;
	s22 =	sadd.s32 @!p1 s22, s23  }
0x40: {  	s23 =	simm.s32 @!p1 $0x3800;
	s21 =	sadd.s32 @!p1 s21, s22;
	s22 =	simm.s32 @!p1 $0x80  }
0x41: {  	[tilespmem:s24], [sflag:$0x1] =	stream.strided.gather @!p1 [hbm4b:s21+s22], $0x4000, s23, s22, $0x38;
	[tilespmem:$0x10100] =	vst v63  }
0x42: {  	p1 =	sge.u32 s31, s7  }
.Ltmp2:
0x43: {  	_ = 	snop;
	(pc) =	sbr.rel @p1 .LBB1_5-.Ltmp2, $1  }
0x44: {  	_ =	sdelay $0x3  }
0x45: {  	s21 =	simm.s32 $0x1  }
0x46: {  	_ =	swait.ge [sflag:s6], $0x4000;
	s21 =	simm.s32 @!p0 $0x0  }
0x47: {  	[sflag:s6] =	ssyncset.done $0x0;
	s22 =	sshll.u32 s21, $0xE  }
0x48: {  	[sflag:s6] =	ssyncadd.s32 $0xFFFFC000;
	s22 =	sor.u32 $0x40, s22  }
0x49: {  	s21 =	smul.u32 $0x10200, s21;
	v0 =	vld [tilespmem:s22+$0x30]  }
0x4a: {  	v1 =	vld [tilespmem:s22+$0xFFFFFFD0]  }
0x4b: {  	s21 =	sshrl.u32 s21, $0x2;
	v5 =	vld [tilespmem:s22+$0xFFFFFFE0]  }
0x4c: {  	v6 =	vld [tilespmem:s22+$0xFFFFFFF0];
	s24 =	sor.u32 $0x8000, s21  }
0x4d: {  	s31 =	sand.u32 $0x1, s17;
	v4 =	vld [tilespmem:s22+$0x0];
	s23 =	sadd.s32 $0x0, s24  }
0x4e: {  	v3 =	vld [tilespmem:s22+$0x10];
	s21 =	smul.u32 $0x10200, s31;
	[tilespmem:s23+$0x3870 ss:$0x81] =	vst.msk $0xffff, v0  }
0x4f: {  	v2 =	vld [tilespmem:s22+$0x20];
	[tilespmem:s23+$0x810 ss:$0x81] =	vst.msk $0xffff, v1  }
0x50: {  	s21 =	sshrl.u32 s21, $0x2;
	v1 =	vld [tilespmem:s22+$0xFFFFFFC0];
	[tilespmem:s23+$0x1020 ss:$0x81] =	vst.msk $0xffff, v5;
	s22 =	sadd.s32 $0x80, s22  }
0x51: {  	s25 =	simm.s32 $0x4;
	s26 =	simm.s32 $0x8;
	s21 =	sor.u32 $0x8000, s21;
	[tilespmem:s23+$0x1830 ss:$0x81] =	vst.msk $0xffff, v6;
	v0 =	vld [tilespmem:s22+$0x30]  }
.LBB1_3:
0x52: {  	p1 =	sne.s32 s26, $0x1FC;
	v5 =	vld [tilespmem:s22+$0xFFFFFFD0];
	[tilespmem:s23+$0x2040 ss:$0x81] =	vst.msk $0xffff, v4  }
0x53: {  	v6 =	vld [tilespmem:s22+$0xFFFFFFE0];
	[tilespmem:s23+$0x2850 ss:$0x81] =	vst.msk $0xffff, v3  }
0x54: {  	s27 =	sshra.s32 s25, $0x2;
	s25 =	smov.u32 s26;
	v7 =	vld [tilespmem:s22+$0xFFFFFFF0];
	[tilespmem:s23+$0x3060 ss:$0x81] =	vst.msk $0xffff, v2  }
.Ltmp3:
0x55: {  	v4 =	vld [tilespmem:s22+$0x0];
	[tilespmem:s23+$0x0 ss:$0x81] =	vst.msk $0xffff, v1;
	s23 =	sadd.s32 s27, s24;
	(pc) =	sbr.rel @p1 .LBB1_3-.Ltmp3, $4  }
0x56: {  	v3 =	vld [tilespmem:s22+$0x10];
	[tilespmem:s23+$0x3870 ss:$0x81] =	vst.msk $0xffff, v0  }
0x57: {  	[tilespmem:s23+$0x810 ss:$0x81] =	vst.msk $0xffff, v5;
	v2 =	vld [tilespmem:s22+$0x20]  }
0x58: {  	v1 =	vld [tilespmem:s22+$0xFFFFFFC0];
	[tilespmem:s23+$0x1020 ss:$0x81] =	vst.msk $0xffff, v6;
	s22 =	sadd.s32 $0x80, s22  }
0x59: {  	s26 =	sadd.s32 $0x4, s26;
	v0 =	vld [tilespmem:s22+$0x30];
	[tilespmem:s23+$0x1830 ss:$0x81] =	vst.msk $0xffff, v7  }
.Ltmp4:
0x5a: {  	_ = 	snop;
	(pc) =	sbr.rel .LBB1_4-.Ltmp4, $1  }
0x5b: {  	_ =	sdelay $0x3  }
.LBB1_6:
0x5c: {  	_ =	sfence.sel $0x180000  }
0x5d: {  	s2 =	simm.s32 $0x1;
	[bflag:$0x0] =	sbarrier.arrive $0xFFFF  }
0x5e: {  	s31 =	simm.s32 $0x2;
	[sflag:s2] =	ssyncpa.u1 $0x1  }
0x5f: {  	[sflag:s31] =	ssyncpa.u1 $0x1  }
0x60: {  	p0 =	sne.s32 s1, $0x0;
	_ =	strace $0x90000047  }
0x61: {  	s0 =	sadd.s32 @!p0 $0x100000, s0;
	[bflag:$0x2] =	sbarrier.arrive $0xFFFF  }
0x62: {  	[sflag:s0] =	ssyncadd.tile.s32 @!p0 $0x1;
	_ =	shalt  }
.Lfunc_end1:
_tile_overlayer_lowered:
.L_overlay_start_2:
0x63: {  	(tag) =	ssettag $0x2  }
0x64: {  	s0 =	rddreg [dreg:$0x0];
	s2 =	stileid.u32  }
0x65: {  	s1 =	rddreg [dreg:$0x1];
	p0 =	sne.s32 s2, $0x0  }
0x66: {  	s3 =	rddreg [dreg:$0x2];
	[bflag:$0x3] =	sbarrier.arrive $0xFFFF;
	s2 =	simm.s32 @!p0 $0x1C01  }
0x67: {  	[timem:s3], [sflag:s2] =	dma.local @!p0 [hbm:s0], s1  }
0x68: {  	s0 =	simm.s32 @!p0 $0x1  }
0x69: {  	_ =	swait.ge @!p0 [sflag:s0], s1  }
0x6a: {  	s1 =	ssub.s32 @!p0 $0x0, s1;
	[sflag:s0] =	ssyncset.done @!p0 $0x0  }
0x6b: {  	[sflag:s0] =	ssyncadd.s32 @!p0 s1  }
0x6c: {  	[bflag:$0x3] =	sbarrier.arrive $0xFFFF  }
0x6d: {  	_ =	shalt  }

</sc_bundles>
